<compile_context>
chip_gen: v7x
topology: tpu7x:2x2x1
jax: 0.10.2.dev20260603
libtpu: 0.0.44.dev20260713+nightly
codegen_flags: <defaults>
</compile_context>

<pallas_src>
import functools

import jax
import jax.numpy as jnp
from jax import lax
from jax.experimental import pallas as pl
from jax.experimental.pallas import tpu as pltpu
from jax.experimental.pallas import tpu_sc as plsc

NUM_PAGES = 1024
TOKENS_PER_PAGE = 32
SLOTS = 16
MAX_PAGES_PER_SLOT = 64
NUM_KV_HEADS = 8
HEAD_DIM = 64
NROWS = NUM_KV_HEADS * TOKENS_PER_PAGE * HEAD_DIM
PM_FLAT = SLOTS * MAX_PAGES_PER_SLOT
RESERVE = 32
BLK = 1024




def _tc_body(rel_ref, k_ref, v_ref, ko_ref, vo_ref):
    lanes = lax.broadcasted_iota(jnp.int32, (MAX_PAGES_PER_SLOT, NUM_PAGES), 1)
    hit = jnp.max(jnp.where(lanes == rel_ref[...], 1, 0), axis=0, keepdims=True)
    released = hit > 0
    zero = jnp.zeros((), jnp.float32)
    ko_ref[...] = jnp.where(released, zero, k_ref[...])
    vo_ref[...] = jnp.where(released, zero, v_ref[...])


_kv2d = jax.ShapeDtypeStruct((NROWS, NUM_PAGES), jnp.float32)
_tc_call = pl.pallas_call(
    _tc_body,
    out_shape=(_kv2d, _kv2d),
    grid=(NROWS // BLK,),
    in_specs=[
        pl.BlockSpec((MAX_PAGES_PER_SLOT, 1), lambda i: (0, 0)),
        pl.BlockSpec((BLK, NUM_PAGES), lambda i: (i, 0)),
        pl.BlockSpec((BLK, NUM_PAGES), lambda i: (i, 0)),
    ],
    out_specs=[
        pl.BlockSpec((BLK, NUM_PAGES), lambda i: (i, 0)),
        pl.BlockSpec((BLK, NUM_PAGES), lambda i: (i, 0)),
    ],
)




def _gather16(x, idx):
    return x.at[idx].get(mode="promise_in_bounds")


def _prefix16(x):
    lane = lax.iota(jnp.int32, 16)
    zero = jnp.zeros((16,), jnp.int32)
    for k in (1, 2, 4, 8):
        shifted = _gather16(x, jnp.maximum(lane - k, 0))
        x = x + jnp.where(lane >= k, shifted, zero)
    return x


def _splat_last(x):
    return _gather16(x, jnp.full((16,), 15, jnp.int32))


def _sc_body(ps_hbm, rel_hbm, pm_hbm, meta_hbm,
             ps_out, pm_out, meta_out,
             rel_v, pm_v, ps_v, row_v, meta_v):
    cid = lax.axis_index("c")
    sid = lax.axis_index("s")
    wid = sid * 2 + cid

    @pl.when(wid == 0)
    def _meta():
        pltpu.sync_copy(rel_hbm, rel_v)
        pltpu.sync_copy(ps_hbm, ps_v)
        pltpu.sync_copy(pm_hbm, pm_v)
        pltpu.sync_copy(meta_hbm, meta_v)
        zero16 = jnp.zeros((16,), jnp.int32)
        neg16 = jnp.full((16,), -1, jnp.int32)
        iota = lax.iota(jnp.int32, 16)
        slot_vec = meta_v[pl.ds(64, 16)]

        for cch in range(4):
            ridx = rel_v[pl.ds(cch * 16, 16)]
            plsc.store_scatter(ps_v, [ridx], zero16)

        tl_vec = meta_v[pl.ds(80, 16)]
        is_slot = iota == slot_vec
        seq_in = meta_v[pl.ds(0, 16)]
        npu_in = meta_v[pl.ds(16, 16)]
        cp_in = meta_v[pl.ds(32, 16)]
        cpp_in = meta_v[pl.ds(48, 16)]
        npn = (tl_vec + (TOKENS_PER_PAGE - 1)) // TOKENS_PER_PAGE
        lpp = jnp.where(tl_vec > 0, (tl_vec - 1) % TOKENS_PER_PAGE, zero16)
        meta_v[pl.ds(0, 16)] = jnp.where(is_slot, tl_vec, seq_in)
        meta_v[pl.ds(16, 16)] = jnp.where(is_slot, npn, npu_in)
        meta_v[pl.ds(32, 16)] = jnp.where(is_slot, neg16, cp_in)
        meta_v[pl.ds(48, 16)] = jnp.where(is_slot, lpp, cpp_in)

        row_v[pl.ds(0, 16)] = neg16
        row_v[pl.ds(16, 16)] = neg16

        def _search(vi, cnt):
            vec = ps_v[pl.ds(pl.multiple_of(vi * 16, 16), 16)]
            zm = vec == 0
            pc = _prefix16(jnp.where(zm, 1, 0).astype(jnp.int32))
            ordn = cnt + pc - 1
            take = zm & (ordn < RESERVE)
            pages = iota + vi * 16
            plsc.store_scatter(row_v, [ordn], pages, mask=take)
            ps_v[pl.ds(pl.multiple_of(vi * 16, 16), 16)] = jnp.where(take, 1, vec)
            hit = zm & (ordn == RESERVE - 1)
            plsc.store_scatter(meta_v, [slot_vec + 32], pages, mask=hit)
            return cnt + _splat_last(pc)

        lax.fori_loop(0, NUM_PAGES // 16, _search, jnp.zeros((16,), jnp.int32))

        base = slot_vec * MAX_PAGES_PER_SLOT + iota
        plsc.store_scatter(pm_v, [base], row_v[pl.ds(0, 16)])
        plsc.store_scatter(pm_v, [base + 16], row_v[pl.ds(16, 16)])
        plsc.store_scatter(pm_v, [base + 32], neg16)
        plsc.store_scatter(pm_v, [base + 48], neg16)

        pltpu.sync_copy(ps_v, ps_out)
        pltpu.sync_copy(pm_v, pm_out)
        pltpu.sync_copy(meta_v.at[pl.ds(0, 64)], meta_out)


@functools.cache
def _get_sc_call():
  mesh = plsc.VectorSubcoreMesh(core_axis_name="c", subcore_axis_name="s")
  return pl.kernel(
    _sc_body,
    out_type=(
        jax.ShapeDtypeStruct((NUM_PAGES,), jnp.int32),
        jax.ShapeDtypeStruct((PM_FLAT,), jnp.int32),
        jax.ShapeDtypeStruct((4 * SLOTS,), jnp.int32),
    ),
    mesh=mesh,
    compiler_params=pltpu.CompilerParams(needs_layout_passes=False),
    scratch_types=[
        pltpu.VMEM((MAX_PAGES_PER_SLOT,), jnp.int32),
        pltpu.VMEM((PM_FLAT,), jnp.int32),
        pltpu.VMEM((NUM_PAGES,), jnp.int32),
        pltpu.VMEM((2 * RESERVE,), jnp.int32),
        pltpu.VMEM((6 * SLOTS,), jnp.int32),
    ],
  )


def kernel(key_pages, value_pages, page_status, page_map, sequence_lengths,
           num_pages_used, current_page, current_page_position, slot, true_length):
    slot = jnp.asarray(slot, jnp.int32)
    tl = jnp.asarray(true_length, jnp.int32)
    released = lax.dynamic_index_in_dim(page_map, slot, axis=0, keepdims=False)
    meta_in = jnp.concatenate([
        sequence_lengths.astype(jnp.int32),
        num_pages_used.astype(jnp.int32),
        current_page.astype(jnp.int32),
        current_page_position.astype(jnp.int32),
        jnp.full((SLOTS,), slot, jnp.int32),
        jnp.full((SLOTS,), tl, jnp.int32),
    ])
    ps_out, pm_out, meta_out = _get_sc_call()(
        page_status, released, page_map.reshape(PM_FLAT), meta_in)

    kt = jnp.transpose(key_pages, (0, 2, 3, 1)).reshape(NROWS, NUM_PAGES)
    vt = jnp.transpose(value_pages, (0, 2, 3, 1)).reshape(NROWS, NUM_PAGES)
    ko, vo = _tc_call(released.reshape(MAX_PAGES_PER_SLOT, 1), kt, vt)
    key_out = jnp.transpose(
        ko.reshape(NUM_KV_HEADS, TOKENS_PER_PAGE, HEAD_DIM, NUM_PAGES),
        (0, 3, 1, 2))
    value_out = jnp.transpose(
        vo.reshape(NUM_KV_HEADS, TOKENS_PER_PAGE, HEAD_DIM, NUM_PAGES),
        (0, 3, 1, 2))

    pm_new = pm_out.reshape(SLOTS, MAX_PAGES_PER_SLOT)
    return (key_out, value_out, ps_out, pm_new,
            meta_out[0:16], meta_out[16:32], meta_out[32:48], meta_out[48:64])

# --- scband reference (transcript-rebuilt; emitter-appended) ---
"""Pipeline reference for scband-page-manager-54863912239273 (READ-ONLY COPY).

The authoritative reference and input builder live on the scoring server;
editing this copy changes nothing except your own understanding.
"""

import jax, jax.numpy as jnp
import numpy as np

NUM_PAGES = 1024
TOKENS_PER_PAGE = 32
SLOTS = 16
MAX_PAGES_PER_SLOT = 64
NUM_KV_HEADS = 8
HEAD_DIM = 64


def setup_inputs(seed: int = 0) -> dict:
    key = jax.random.key(seed)
    ks = jax.random.split(key, 8)
    key_pages = jax.random.normal(ks[0], (NUM_KV_HEADS, NUM_PAGES, TOKENS_PER_PAGE, HEAD_DIM), dtype=jnp.float32)
    value_pages = jax.random.normal(ks[1], (NUM_KV_HEADS, NUM_PAGES, TOKENS_PER_PAGE, HEAD_DIM), dtype=jnp.float32)
    page_status = jax.random.randint(ks[2], (NUM_PAGES,), 0, 2, dtype=jnp.int32)
    page_map = jax.random.randint(ks[3], (SLOTS, MAX_PAGES_PER_SLOT), 0, NUM_PAGES, dtype=jnp.int32)
    sequence_lengths = jax.random.randint(ks[4], (SLOTS,), 0, 2048, dtype=jnp.int32)
    num_pages_used = jax.random.randint(ks[5], (SLOTS,), 0, MAX_PAGES_PER_SLOT, dtype=jnp.int32)
    current_page = jax.random.randint(ks[6], (SLOTS,), 0, NUM_PAGES, dtype=jnp.int32)
    current_page_position = jax.random.randint(ks[7], (SLOTS,), 0, TOKENS_PER_PAGE, dtype=jnp.int32)
    return {
        "key_pages": key_pages,
        "value_pages": value_pages,
        "page_status": page_status,
        "page_map": page_map,
        "sequence_lengths": sequence_lengths,
        "num_pages_used": num_pages_used,
        "current_page": current_page,
        "current_page_position": current_page_position,
        "slot": 3,
        "true_length": 1000,
    }


def reference(key_pages, value_pages, page_status, page_map, sequence_lengths,
              num_pages_used, current_page, current_page_position, slot, true_length):
    # --- release_slot_pages(slot, key_pages_var, value_pages_var) ---
    mapped_pages = page_map[slot]
    valid = mapped_pages >= 0
    used_pages = jnp.where(valid, mapped_pages, NUM_PAGES)
    # vectorized equivalent of the per-page python loop (scatter-overwrite)
    page_status = page_status.at[used_pages].set(0, mode="drop")
    key_pages = key_pages.at[:, used_pages, :, :].set(0.0, mode="drop")
    value_pages = value_pages.at[:, used_pages, :, :].set(0.0, mode="drop")
    page_map = page_map.at[slot, :].set(-1)
    sequence_lengths = sequence_lengths.at[slot].set(0)
    num_pages_used = num_pages_used.at[slot].set(0)
    current_page = current_page.at[slot].set(-1)
    current_page_position = current_page_position.at[slot].set(0)

    # --- reserve_prefix_slot_pages(slot, true_length, ...) ---
    tokens_per_page = TOKENS_PER_PAGE
    num_pages_needed = (true_length + tokens_per_page - 1) // tokens_per_page
    num_pages_needed_static = (1000 + tokens_per_page - 1) // tokens_per_page
    last_page_position = jnp.where(true_length > 0, (true_length - 1) % tokens_per_page, 0)

    def _reserve_single_page(i, carry):
        ps, pm, cp = carry
        next_free_page = jnp.where(ps == 0, size=1, fill_value=-1)[0][0]
        ps = ps.at[next_free_page].set(1)
        pm = pm.at[slot, i].set(next_free_page)
        cp = cp.at[slot].set(next_free_page)
        return (ps, pm, cp)

    page_status, page_map, current_page = jax.lax.fori_loop(
        0, num_pages_needed_static, _reserve_single_page, (page_status, page_map, current_page))
    sequence_lengths = sequence_lengths.at[slot].set(true_length)
    num_pages_used = num_pages_used.at[slot].set(num_pages_needed)
    current_page_position = current_page_position.at[slot].set(last_page_position)

    return (key_pages, value_pages, page_status, page_map, sequence_lengths,
            num_pages_used, current_page, current_page_position)

if __name__ == "__main__":
    import jax
    _d = setup_inputs()
    print(jax.jit(kernel)(*tuple(_d.values())))

</pallas_src>

<mosaic_0001>
#map = affine_map<(d0, d1) -> (0)>
module attributes {stable_mosaic.version = 14 : i64} {
  func.func @_sc_body(%arg0: i32, %arg1: i32, %arg2: memref<1024xi32, #tpu.memory_space<hbm>>, %arg3: memref<64xi32, #tpu.memory_space<hbm>>, %arg4: memref<1024xi32, #tpu.memory_space<hbm>>, %arg5: memref<96xi32, #tpu.memory_space<hbm>>, %arg6: memref<1024xi32, #tpu.memory_space<hbm>>, %arg7: memref<1024xi32, #tpu.memory_space<hbm>>, %arg8: memref<64xi32, #tpu.memory_space<hbm>>, %arg9: memref<64xi32, #tpu.memory_space<vmem>>, %arg10: memref<1024xi32, #tpu.memory_space<vmem>>, %arg11: memref<1024xi32, #tpu.memory_space<vmem>>, %arg12: memref<64xi32, #tpu.memory_space<vmem>>, %arg13: memref<96xi32, #tpu.memory_space<vmem>>) attributes {dimension_semantics = [#tpu.dimension_semantics<core_parallel>, #tpu.dimension_semantics<subcore_parallel>], iteration_bounds = array<i64: 2, 16>, scalar_prefetch = 0 : i64, scratch_operands = 5 : i64, tpu.core_type = #tpu.core_type<sc_vector_subcore>, window_params = [{transform_indices = #map}, {transform_indices = #map}, {transform_indices = #map}, {transform_indices = #map}, {transform_indices = #map}, {transform_indices = #map}, {transform_indices = #map}]} {
    %mul3A = arith.constant 2 : i32
    %mul3A_0 = arith.muli %arg1, %mul3A : i32
    %add3A = arith.addi %mul3A_0, %arg0 : i32
    %eq3A = arith.constant 0 : i32
    %eq3A_1 = arith.cmpi eq, %add3A, %eq3A : i32
    %convert_element_type3A = arith.extui %eq3A_1 : i1 to i32
    %cond3A = arith.constant 0 : i32
    %cond3A_2 = arith.cmpi ne, %convert_element_type3A, %cond3A : i32
    scf.if %cond3A_2 {
      "tpu.region"() ({
        %run_scoped3A = tpu.sem_alloc : memref<!tpu.dma_semaphore, #tpu.memory_space<semaphore_mem>>
        tpu.enqueue_dma source(%arg3 : memref<64xi32, #tpu.memory_space<hbm>>) target(%arg9 : memref<64xi32, #tpu.memory_space<vmem>>) target_semaphore(%run_scoped3A : memref<!tpu.dma_semaphore, #tpu.memory_space<semaphore_mem>>)
        tpu.wait_dma2 semaphore(%run_scoped3A : memref<!tpu.dma_semaphore, #tpu.memory_space<semaphore_mem>>) src(%arg3 : memref<64xi32, #tpu.memory_space<hbm>>) dst(%arg9 : memref<64xi32, #tpu.memory_space<vmem>>)
        tpu.yield
      }) : () -> ()
      "tpu.region"() ({
        %run_scoped3A = tpu.sem_alloc : memref<!tpu.dma_semaphore, #tpu.memory_space<semaphore_mem>>
        tpu.enqueue_dma source(%arg2 : memref<1024xi32, #tpu.memory_space<hbm>>) target(%arg11 : memref<1024xi32, #tpu.memory_space<vmem>>) target_semaphore(%run_scoped3A : memref<!tpu.dma_semaphore, #tpu.memory_space<semaphore_mem>>)
        tpu.wait_dma2 semaphore(%run_scoped3A : memref<!tpu.dma_semaphore, #tpu.memory_space<semaphore_mem>>) src(%arg2 : memref<1024xi32, #tpu.memory_space<hbm>>) dst(%arg11 : memref<1024xi32, #tpu.memory_space<vmem>>)
        tpu.yield
      }) : () -> ()
      "tpu.region"() ({
        %run_scoped3A = tpu.sem_alloc : memref<!tpu.dma_semaphore, #tpu.memory_space<semaphore_mem>>
        tpu.enqueue_dma source(%arg4 : memref<1024xi32, #tpu.memory_space<hbm>>) target(%arg10 : memref<1024xi32, #tpu.memory_space<vmem>>) target_semaphore(%run_scoped3A : memref<!tpu.dma_semaphore, #tpu.memory_space<semaphore_mem>>)
        tpu.wait_dma2 semaphore(%run_scoped3A : memref<!tpu.dma_semaphore, #tpu.memory_space<semaphore_mem>>) src(%arg4 : memref<1024xi32, #tpu.memory_space<hbm>>) dst(%arg10 : memref<1024xi32, #tpu.memory_space<vmem>>)
        tpu.yield
      }) : () -> ()
      "tpu.region"() ({
        %run_scoped3A = tpu.sem_alloc : memref<!tpu.dma_semaphore, #tpu.memory_space<semaphore_mem>>
        tpu.enqueue_dma source(%arg5 : memref<96xi32, #tpu.memory_space<hbm>>) target(%arg13 : memref<96xi32, #tpu.memory_space<vmem>>) target_semaphore(%run_scoped3A : memref<!tpu.dma_semaphore, #tpu.memory_space<semaphore_mem>>)
        tpu.wait_dma2 semaphore(%run_scoped3A : memref<!tpu.dma_semaphore, #tpu.memory_space<semaphore_mem>>) src(%arg5 : memref<96xi32, #tpu.memory_space<hbm>>) dst(%arg13 : memref<96xi32, #tpu.memory_space<vmem>>)
        tpu.yield
      }) : () -> ()
      %broadcast_in_dim3A = arith.constant 0 : i32
      %broadcast_in_dim3A_3 = vector.broadcast %broadcast_in_dim3A : i32 to vector<16xi32>
      %broadcast_in_dim3A_4 = arith.constant -1 : i32
      %broadcast_in_dim3A_5 = vector.broadcast %broadcast_in_dim3A_4 : i32 to vector<16xi32>
      %iota3A = tpu.iota {dimensions = array<i32: 0>} : vector<16xi32>
      %get3A = arith.constant 64 : index
      %get3A_6 = tpu.vector_load %arg13[%get3A] {strides = array<i32>} : memref<96xi32, #tpu.memory_space<vmem>>, vector<16xi32>,
      %get3A_7 = arith.constant 0 : index
      %get3A_8 = tpu.vector_load %arg9[%get3A_7] {strides = array<i32>} : memref<64xi32, #tpu.memory_space<vmem>>, vector<16xi32>,
      tpu.vector_store_idx %arg11[%get3A_8], %broadcast_in_dim3A_3 : memref<1024xi32, #tpu.memory_space<vmem>>[vector<16xi32>], vector<16xi32>,
      %get3A_9 = arith.constant 16 : index
      %get3A_10 = tpu.vector_load %arg9[%get3A_9] {strides = array<i32>} : memref<64xi32, #tpu.memory_space<vmem>>, vector<16xi32>,
      tpu.vector_store_idx %arg11[%get3A_10], %broadcast_in_dim3A_3 : memref<1024xi32, #tpu.memory_space<vmem>>[vector<16xi32>], vector<16xi32>,
      %get3A_11 = arith.constant 32 : index
      %get3A_12 = tpu.vector_load %arg9[%get3A_11] {strides = array<i32>} : memref<64xi32, #tpu.memory_space<vmem>>, vector<16xi32>,
      tpu.vector_store_idx %arg11[%get3A_12], %broadcast_in_dim3A_3 : memref<1024xi32, #tpu.memory_space<vmem>>[vector<16xi32>], vector<16xi32>,
      %get3A_13 = arith.constant 48 : index
      %get3A_14 = tpu.vector_load %arg9[%get3A_13] {strides = array<i32>} : memref<64xi32, #tpu.memory_space<vmem>>, vector<16xi32>,
      tpu.vector_store_idx %arg11[%get3A_14], %broadcast_in_dim3A_3 : memref<1024xi32, #tpu.memory_space<vmem>>[vector<16xi32>], vector<16xi32>,
      %get3A_15 = arith.constant 80 : index
      %get3A_16 = tpu.vector_load %arg13[%get3A_15] {strides = array<i32>} : memref<96xi32, #tpu.memory_space<vmem>>, vector<16xi32>,
      %eq3A_17 = arith.cmpi eq, %iota3A, %get3A_6 : vector<16xi32>
      %get3A_18 = arith.constant 0 : index
      %get3A_19 = tpu.vector_load %arg13[%get3A_18] {strides = array<i32>} : memref<96xi32, #tpu.memory_space<vmem>>, vector<16xi32>,
      %get3A_20 = arith.constant 16 : index
      %get3A_21 = tpu.vector_load %arg13[%get3A_20] {strides = array<i32>} : memref<96xi32, #tpu.memory_space<vmem>>, vector<16xi32>,
      %get3A_22 = arith.constant 32 : index
      %get3A_23 = tpu.vector_load %arg13[%get3A_22] {strides = array<i32>} : memref<96xi32, #tpu.memory_space<vmem>>, vector<16xi32>,
      %get3A_24 = arith.constant 48 : index
      %get3A_25 = tpu.vector_load %arg13[%get3A_24] {strides = array<i32>} : memref<96xi32, #tpu.memory_space<vmem>>, vector<16xi32>,
      %add3A_26 = arith.constant 31 : i32
      %add3A_27 = vector.broadcast %add3A_26 : i32 to vector<16xi32>
      %add3A_28 = arith.addi %get3A_16, %add3A_27 : vector<16xi32>
      %jit3A = arith.constant 32 : i32
      %div3A = vector.broadcast %jit3A : i32 to vector<16xi32>
      %div3A_29 = arith.divsi %add3A_28, %div3A : vector<16xi32>
      %sign3A = arith.constant 0 : i32
      %sign3A_30 = vector.broadcast %sign3A : i32 to vector<16xi32>
      %sign3A_31 = arith.cmpi sgt, %add3A_28, %sign3A_30 : vector<16xi32>
      %sign3A_32 = arith.extui %sign3A_31 : vector<16xi1> to vector<16xi32>
      %sign3A_33 = arith.constant 0 : i32
      %sign3A_34 = vector.broadcast %sign3A_33 : i32 to vector<16xi32>
      %sign3A_35 = arith.cmpi slt, %add3A_28, %sign3A_34 : vector<16xi32>
      %sign3A_36 = arith.extui %sign3A_35 : vector<16xi1> to vector<16xi32>
      %sign3A_37 = arith.subi %sign3A_32, %sign3A_36 : vector<16xi32>
      %sign3A_38 = arith.constant 0 : i32
      %sign3A_39 = arith.cmpi sgt, %jit3A, %sign3A_38 : i32
      %sign3A_40 = arith.extui %sign3A_39 : i1 to i32
      %sign3A_41 = arith.constant 0 : i32
      %sign3A_42 = arith.cmpi slt, %jit3A, %sign3A_41 : i32
      %sign3A_43 = arith.extui %sign3A_42 : i1 to i32
      %sign3A_44 = arith.subi %sign3A_40, %sign3A_43 : i32
      %ne3A = vector.broadcast %sign3A_44 : i32 to vector<16xi32>
      %ne3A_45 = arith.cmpi ne, %sign3A_37, %ne3A : vector<16xi32>
      %rem3A = vector.broadcast %jit3A : i32 to vector<16xi32>
      %rem3A_46 = arith.remsi %add3A_28, %rem3A : vector<16xi32>
      %ne3A_47 = arith.constant 0 : i32
      %ne3A_48 = vector.broadcast %ne3A_47 : i32 to vector<16xi32>
      %ne3A_49 = arith.cmpi ne, %rem3A_46, %ne3A_48 : vector<16xi32>
      %and3A = arith.andi %ne3A_45, %ne3A_49 : vector<16xi1>
      %sub3A = arith.constant 1 : i32
      %sub3A_50 = vector.broadcast %sub3A : i32 to vector<16xi32>
      %sub3A_51 = arith.subi %div3A_29, %sub3A_50 : vector<16xi32>
      %select_n3A = arith.select %and3A, %sub3A_51, %div3A_29 : vector<16xi1>, vector<16xi32>
      %gt3A = arith.constant 0 : i32
      %gt3A_52 = vector.broadcast %gt3A : i32 to vector<16xi32>
      %gt3A_53 = arith.cmpi sgt, %get3A_16, %gt3A_52 : vector<16xi32>
      %sub3A_54 = arith.constant 1 : i32
      %sub3A_55 = vector.broadcast %sub3A_54 : i32 to vector<16xi32>
      %sub3A_56 = arith.subi %get3A_16, %sub3A_55 : vector<16xi32>
      %jit3A_57 = arith.constant 32 : i32
      %eq3A_58 = arith.constant 0 : i32
      %eq3A_59 = arith.cmpi eq, %jit3A_57, %eq3A_58 : i32
      %jit3A_60 = arith.constant 1 : i32
      %select_n3A_61 = arith.select %eq3A_59, %jit3A_60, %jit3A_57 : i32
      %rem3A_62 = vector.broadcast %select_n3A_61 : i32 to vector<16xi32>
      %rem3A_63 = arith.remsi %sub3A_56, %rem3A_62 : vector<16xi32>
      %ne3A_64 = arith.constant 0 : i32
      %ne3A_65 = vector.broadcast %ne3A_64 : i32 to vector<16xi32>
      %ne3A_66 = arith.cmpi ne, %rem3A_63, %ne3A_65 : vector<16xi32>
      %lt3A = arith.constant 0 : i32
      %lt3A_67 = vector.broadcast %lt3A : i32 to vector<16xi32>
      %lt3A_68 = arith.cmpi slt, %rem3A_63, %lt3A_67 : vector<16xi32>
      %lt3A_69 = arith.constant 0 : i32
      %lt3A_70 = arith.cmpi slt, %select_n3A_61, %lt3A_69 : i32
      %ne3A_71 = vector.broadcast %lt3A_70 : i1 to vector<16xi1>
      %ne3A_72 = vector.broadcast %ne3A_71 : vector<16xi1> to vector<16xi1>
      %ne3A_73 = arith.xori %lt3A_68, %ne3A_72 : vector<16xi1>
      %and3A_74 = arith.andi %ne3A_73, %ne3A_66 : vector<16xi1>
      %add3A_75 = vector.broadcast %select_n3A_61 : i32 to vector<16xi32>
      %add3A_76 = arith.addi %rem3A_63, %add3A_75 : vector<16xi32>
      %select_n3A_77 = arith.select %and3A_74, %add3A_76, %rem3A_63 : vector<16xi1>, vector<16xi32>
      %select_n3A_78 = arith.select %gt3A_53, %select_n3A_77, %broadcast_in_dim3A_3 : vector<16xi1>, vector<16xi32>
      %select_n3A_79 = arith.select %eq3A_17, %get3A_16, %get3A_19 : vector<16xi1>, vector<16xi32>
      %swap3A = arith.constant 0 : index
      %swap3A_80 = tpu.vector_load %arg13[%swap3A] {strides = array<i32>} : memref<96xi32, #tpu.memory_space<vmem>>, vector<16xi32>,
      tpu.vector_store %arg13[%swap3A], %select_n3A_79 {strides = array<i32>} : memref<96xi32, #tpu.memory_space<vmem>>, vector<16xi32>,
      %select_n3A_81 = arith.select %eq3A_17, %select_n3A, %get3A_21 : vector<16xi1>, vector<16xi32>
      %swap3A_82 = arith.constant 16 : index
      %swap3A_83 = tpu.vector_load %arg13[%swap3A_82] {strides = array<i32>} : memref<96xi32, #tpu.memory_space<vmem>>, vector<16xi32>,
      tpu.vector_store %arg13[%swap3A_82], %select_n3A_81 {strides = array<i32>} : memref<96xi32, #tpu.memory_space<vmem>>, vector<16xi32>,
      %select_n3A_84 = arith.select %eq3A_17, %broadcast_in_dim3A_5, %get3A_23 : vector<16xi1>, vector<16xi32>
      %swap3A_85 = arith.constant 32 : index
      %swap3A_86 = tpu.vector_load %arg13[%swap3A_85] {strides = array<i32>} : memref<96xi32, #tpu.memory_space<vmem>>, vector<16xi32>,
      tpu.vector_store %arg13[%swap3A_85], %select_n3A_84 {strides = array<i32>} : memref<96xi32, #tpu.memory_space<vmem>>, vector<16xi32>,
      %select_n3A_87 = arith.select %eq3A_17, %select_n3A_78, %get3A_25 : vector<16xi1>, vector<16xi32>
      %swap3A_88 = arith.constant 48 : index
      %swap3A_89 = tpu.vector_load %arg13[%swap3A_88] {strides = array<i32>} : memref<96xi32, #tpu.memory_space<vmem>>, vector<16xi32>,
      tpu.vector_store %arg13[%swap3A_88], %select_n3A_87 {strides = array<i32>} : memref<96xi32, #tpu.memory_space<vmem>>, vector<16xi32>,
      %swap3A_90 = arith.constant 0 : index
      %swap3A_91 = tpu.vector_load %arg12[%swap3A_90] {strides = array<i32>} : memref<64xi32, #tpu.memory_space<vmem>>, vector<16xi32>,
      tpu.vector_store %arg12[%swap3A_90], %broadcast_in_dim3A_5 {strides = array<i32>} : memref<64xi32, #tpu.memory_space<vmem>>, vector<16xi32>,
      %swap3A_92 = arith.constant 16 : index
      %swap3A_93 = tpu.vector_load %arg12[%swap3A_92] {strides = array<i32>} : memref<64xi32, #tpu.memory_space<vmem>>, vector<16xi32>,
      tpu.vector_store %arg12[%swap3A_92], %broadcast_in_dim3A_5 {strides = array<i32>} : memref<64xi32, #tpu.memory_space<vmem>>, vector<16xi32>,
      %broadcast_in_dim3A_94 = arith.constant 0 : i32
      %broadcast_in_dim3A_95 = vector.broadcast %broadcast_in_dim3A_94 : i32 to vector<16xi32>
      %scan3A = arith.constant 0 : i32
      %scan3A_96 = arith.constant 64 : i32
      %scan3A_97 = arith.addi %scan3A, %scan3A_96 : i32
      %scan3A_98 = arith.constant 1 : i32
      %scan3A_99 = scf.for %scan3A_118 = %scan3A to %scan3A_97 step %scan3A_98 iter_args(%scan3A_119 = %broadcast_in_dim3A_95) -> (vector<16xi32>)  : i32 {
        %mul3A_120 = arith.constant 16 : i32
        %mul3A_121 = arith.muli %scan3A_118, %mul3A_120 : i32
        %multiple_of3A = tpu.assume_multiple %mul3A_121, 16 : i32
        %get3A_122 = arith.index_cast %multiple_of3A : i32 to index
        %get3A_123 = tpu.vector_load %arg11[%get3A_122] {strides = array<i32>} : memref<1024xi32, #tpu.memory_space<vmem>>, vector<16xi32>,
        %eq3A_124 = arith.constant 0 : i32
        %eq3A_125 = vector.broadcast %eq3A_124 : i32 to vector<16xi32>
        %eq3A_126 = arith.cmpi eq, %get3A_123, %eq3A_125 : vector<16xi32>
        %jit3A_127 = arith.constant 1 : i32
        %jit3A_128 = arith.constant 0 : i32
        %broadcast_in_dim3A_129 = vector.broadcast %jit3A_127 : i32 to vector<16xi32>
        %broadcast_in_dim3A_130 = vector.broadcast %jit3A_128 : i32 to vector<16xi32>
        %select_n3A_131 = arith.select %eq3A_126, %broadcast_in_dim3A_129, %broadcast_in_dim3A_130 : vector<16xi1>, vector<16xi32>
        %iota3A_132 = tpu.iota {dimensions = array<i32: 0>} : vector<16xi32>
        %broadcast_in_dim3A_133 = arith.constant 0 : i32
        %broadcast_in_dim3A_134 = vector.broadcast %broadcast_in_dim3A_133 : i32 to vector<16xi32>
        %sub3A_135 = arith.constant 1 : i32
        %sub3A_136 = vector.broadcast %sub3A_135 : i32 to vector<16xi32>
        %sub3A_137 = arith.subi %iota3A_132, %sub3A_136 : vector<16xi32>
        %max3A = arith.constant 0 : i32
        %max3A_138 = vector.broadcast %max3A : i32 to vector<16xi32>
        %max3A_139 = arith.maxsi %sub3A_137, %max3A_138 : vector<16xi32>
        %lt3A_140 = arith.constant 0 : i32
        %lt3A_141 = vector.broadcast %lt3A_140 : i32 to vector<16xi32>
        %lt3A_142 = arith.cmpi slt, %max3A_139, %lt3A_141 : vector<16xi32>
        %add3A_143 = arith.constant 16 : i32
        %add3A_144 = vector.broadcast %add3A_143 : i32 to vector<16xi32>
        %add3A_145 = arith.addi %max3A_139, %add3A_144 : vector<16xi32>
        %select_n3A_146 = arith.select %lt3A_142, %add3A_145, %max3A_139 : vector<16xi1>, vector<16xi32>
        %broadcast_in_dim3A_147 = vector.shape_cast %select_n3A_146 : vector<16xi32> to vector<16x1xi32>
        %gather3A = vector.shape_cast %broadcast_in_dim3A_147 : vector<16x1xi32> to vector<16xi32>
        %gather3A_148 = tpu.dynamic_gather %select_n3A_131[%gather3A] in [0] : vector<16xi32>, vector<16xi32> -> vector<16xi32>
        %ge3A = arith.constant 1 : i32
        %ge3A_149 = vector.broadcast %ge3A : i32 to vector<16xi32>
        %ge3A_150 = arith.cmpi sge, %iota3A_132, %ge3A_149 : vector<16xi32>
        %select_n3A_151 = arith.select %ge3A_150, %gather3A_148, %broadcast_in_dim3A_134 : vector<16xi1>, vector<16xi32>
        %add3A_152 = arith.addi %select_n3A_131, %select_n3A_151 : vector<16xi32>
        %sub3A_153 = arith.constant 2 : i32
        %sub3A_154 = vector.broadcast %sub3A_153 : i32 to vector<16xi32>
        %sub3A_155 = arith.subi %iota3A_132, %sub3A_154 : vector<16xi32>
        %max3A_156 = arith.constant 0 : i32
        %max3A_157 = vector.broadcast %max3A_156 : i32 to vector<16xi32>
        %max3A_158 = arith.maxsi %sub3A_155, %max3A_157 : vector<16xi32>
        %lt3A_159 = arith.constant 0 : i32
        %lt3A_160 = vector.broadcast %lt3A_159 : i32 to vector<16xi32>
        %lt3A_161 = arith.cmpi slt, %max3A_158, %lt3A_160 : vector<16xi32>
        %add3A_162 = arith.constant 16 : i32
        %add3A_163 = vector.broadcast %add3A_162 : i32 to vector<16xi32>
        %add3A_164 = arith.addi %max3A_158, %add3A_163 : vector<16xi32>
        %select_n3A_165 = arith.select %lt3A_161, %add3A_164, %max3A_158 : vector<16xi1>, vector<16xi32>
        %broadcast_in_dim3A_166 = vector.shape_cast %select_n3A_165 : vector<16xi32> to vector<16x1xi32>
        %gather3A_167 = vector.shape_cast %broadcast_in_dim3A_166 : vector<16x1xi32> to vector<16xi32>
        %gather3A_168 = tpu.dynamic_gather %add3A_152[%gather3A_167] in [0] : vector<16xi32>, vector<16xi32> -> vector<16xi32>
        %ge3A_169 = arith.constant 2 : i32
        %ge3A_170 = vector.broadcast %ge3A_169 : i32 to vector<16xi32>
        %ge3A_171 = arith.cmpi sge, %iota3A_132, %ge3A_170 : vector<16xi32>
        %select_n3A_172 = arith.select %ge3A_171, %gather3A_168, %broadcast_in_dim3A_134 : vector<16xi1>, vector<16xi32>
        %add3A_173 = arith.addi %add3A_152, %select_n3A_172 : vector<16xi32>
        %sub3A_174 = arith.constant 4 : i32
        %sub3A_175 = vector.broadcast %sub3A_174 : i32 to vector<16xi32>
        %sub3A_176 = arith.subi %iota3A_132, %sub3A_175 : vector<16xi32>
        %max3A_177 = arith.constant 0 : i32
        %max3A_178 = vector.broadcast %max3A_177 : i32 to vector<16xi32>
        %max3A_179 = arith.maxsi %sub3A_176, %max3A_178 : vector<16xi32>
        %lt3A_180 = arith.constant 0 : i32
        %lt3A_181 = vector.broadcast %lt3A_180 : i32 to vector<16xi32>
        %lt3A_182 = arith.cmpi slt, %max3A_179, %lt3A_181 : vector<16xi32>
        %add3A_183 = arith.constant 16 : i32
        %add3A_184 = vector.broadcast %add3A_183 : i32 to vector<16xi32>
        %add3A_185 = arith.addi %max3A_179, %add3A_184 : vector<16xi32>
        %select_n3A_186 = arith.select %lt3A_182, %add3A_185, %max3A_179 : vector<16xi1>, vector<16xi32>
        %broadcast_in_dim3A_187 = vector.shape_cast %select_n3A_186 : vector<16xi32> to vector<16x1xi32>
        %gather3A_188 = vector.shape_cast %broadcast_in_dim3A_187 : vector<16x1xi32> to vector<16xi32>
        %gather3A_189 = tpu.dynamic_gather %add3A_173[%gather3A_188] in [0] : vector<16xi32>, vector<16xi32> -> vector<16xi32>
        %ge3A_190 = arith.constant 4 : i32
        %ge3A_191 = vector.broadcast %ge3A_190 : i32 to vector<16xi32>
        %ge3A_192 = arith.cmpi sge, %iota3A_132, %ge3A_191 : vector<16xi32>
        %select_n3A_193 = arith.select %ge3A_192, %gather3A_189, %broadcast_in_dim3A_134 : vector<16xi1>, vector<16xi32>
        %add3A_194 = arith.addi %add3A_173, %select_n3A_193 : vector<16xi32>
        %sub3A_195 = arith.constant 8 : i32
        %sub3A_196 = vector.broadcast %sub3A_195 : i32 to vector<16xi32>
        %sub3A_197 = arith.subi %iota3A_132, %sub3A_196 : vector<16xi32>
        %max3A_198 = arith.constant 0 : i32
        %max3A_199 = vector.broadcast %max3A_198 : i32 to vector<16xi32>
        %max3A_200 = arith.maxsi %sub3A_197, %max3A_199 : vector<16xi32>
        %lt3A_201 = arith.constant 0 : i32
        %lt3A_202 = vector.broadcast %lt3A_201 : i32 to vector<16xi32>
        %lt3A_203 = arith.cmpi slt, %max3A_200, %lt3A_202 : vector<16xi32>
        %add3A_204 = arith.constant 16 : i32
        %add3A_205 = vector.broadcast %add3A_204 : i32 to vector<16xi32>
        %add3A_206 = arith.addi %max3A_200, %add3A_205 : vector<16xi32>
        %select_n3A_207 = arith.select %lt3A_203, %add3A_206, %max3A_200 : vector<16xi1>, vector<16xi32>
        %broadcast_in_dim3A_208 = vector.shape_cast %select_n3A_207 : vector<16xi32> to vector<16x1xi32>
        %gather3A_209 = vector.shape_cast %broadcast_in_dim3A_208 : vector<16x1xi32> to vector<16xi32>
        %gather3A_210 = tpu.dynamic_gather %add3A_194[%gather3A_209] in [0] : vector<16xi32>, vector<16xi32> -> vector<16xi32>
        %ge3A_211 = arith.constant 8 : i32
        %ge3A_212 = vector.broadcast %ge3A_211 : i32 to vector<16xi32>
        %ge3A_213 = arith.cmpi sge, %iota3A_132, %ge3A_212 : vector<16xi32>
        %select_n3A_214 = arith.select %ge3A_213, %gather3A_210, %broadcast_in_dim3A_134 : vector<16xi1>, vector<16xi32>
        %add3A_215 = arith.addi %add3A_194, %select_n3A_214 : vector<16xi32>
        %add3A_216 = arith.addi %scan3A_119, %add3A_215 : vector<16xi32>
        %sub3A_217 = arith.constant 1 : i32
        %sub3A_218 = vector.broadcast %sub3A_217 : i32 to vector<16xi32>
        %sub3A_219 = arith.subi %add3A_216, %sub3A_218 : vector<16xi32>
        %lt3A_220 = arith.constant 32 : i32
        %lt3A_221 = vector.broadcast %lt3A_220 : i32 to vector<16xi32>
        %lt3A_222 = arith.cmpi slt, %sub3A_219, %lt3A_221 : vector<16xi32>
        %and3A_223 = arith.andi %eq3A_126, %lt3A_222 : vector<16xi1>
        %mul3A_224 = arith.constant 16 : i32
        %mul3A_225 = arith.muli %scan3A_118, %mul3A_224 : i32
        %add3A_226 = vector.broadcast %mul3A_225 : i32 to vector<16xi32>
        %add3A_227 = arith.addi %iota3A, %add3A_226 : vector<16xi32>
        tpu.vector_store_idx %arg12[%sub3A_219], %add3A_227 masked %and3A_223 : memref<64xi32, #tpu.memory_space<vmem>>[vector<16xi32>], vector<16xi32>, vector<16xi1>
        %jit3A_228 = arith.constant 1 : i32
        %broadcast_in_dim3A_229 = vector.broadcast %jit3A_228 : i32 to vector<16xi32>
        %select_n3A_230 = arith.select %and3A_223, %broadcast_in_dim3A_229, %get3A_123 : vector<16xi1>, vector<16xi32>
        %mul3A_231 = arith.constant 16 : i32
        %mul3A_232 = arith.muli %scan3A_118, %mul3A_231 : i32
        %multiple_of3A_233 = tpu.assume_multiple %mul3A_232, 16 : i32
        %swap3A_234 = arith.index_cast %multiple_of3A_233 : i32 to index
        %swap3A_235 = tpu.vector_load %arg11[%swap3A_234] {strides = array<i32>} : memref<1024xi32, #tpu.memory_space<vmem>>, vector<16xi32>,
        tpu.vector_store %arg11[%swap3A_234], %select_n3A_230 {strides = array<i32>} : memref<1024xi32, #tpu.memory_space<vmem>>, vector<16xi32>,
        %eq3A_236 = arith.constant 31 : i32
        %eq3A_237 = vector.broadcast %eq3A_236 : i32 to vector<16xi32>
        %eq3A_238 = arith.cmpi eq, %sub3A_219, %eq3A_237 : vector<16xi32>
        %and3A_239 = arith.andi %eq3A_126, %eq3A_238 : vector<16xi1>
        %add3A_240 = arith.constant 32 : i32
        %add3A_241 = vector.broadcast %add3A_240 : i32 to vector<16xi32>
        %add3A_242 = arith.addi %get3A_6, %add3A_241 : vector<16xi32>
        tpu.vector_store_idx %arg13[%add3A_242], %add3A_227 masked %and3A_239 : memref<96xi32, #tpu.memory_space<vmem>>[vector<16xi32>], vector<16xi32>, vector<16xi1>
        %broadcast_in_dim3A_243 = arith.constant 15 : i32
        %broadcast_in_dim3A_244 = vector.broadcast %broadcast_in_dim3A_243 : i32 to vector<16xi32>
        %lt3A_245 = arith.constant 0 : i32
        %lt3A_246 = vector.broadcast %lt3A_245 : i32 to vector<16xi32>
        %lt3A_247 = arith.cmpi slt, %broadcast_in_dim3A_244, %lt3A_246 : vector<16xi32>
        %add3A_248 = arith.constant 16 : i32
        %add3A_249 = vector.broadcast %add3A_248 : i32 to vector<16xi32>
        %add3A_250 = arith.addi %broadcast_in_dim3A_244, %add3A_249 : vector<16xi32>
        %select_n3A_251 = arith.select %lt3A_247, %add3A_250, %broadcast_in_dim3A_244 : vector<16xi1>, vector<16xi32>
        %broadcast_in_dim3A_252 = vector.shape_cast %select_n3A_251 : vector<16xi32> to vector<16x1xi32>
        %gather3A_253 = vector.shape_cast %broadcast_in_dim3A_252 : vector<16x1xi32> to vector<16xi32>
        %gather3A_254 = tpu.dynamic_gather %add3A_215[%gather3A_253] in [0] : vector<16xi32>, vector<16xi32> -> vector<16xi32>
        %add3A_255 = arith.addi %scan3A_119, %gather3A_254 : vector<16xi32>
        scf.yield %add3A_255 : vector<16xi32>
      }
      %scan3A_100 = arith.constant 64 : i32
      %mul3A_101 = arith.constant 64 : i32
      %mul3A_102 = vector.broadcast %mul3A_101 : i32 to vector<16xi32>
      %mul3A_103 = arith.muli %get3A_6, %mul3A_102 : vector<16xi32>
      %add3A_104 = arith.addi %mul3A_103, %iota3A : vector<16xi32>
      %get3A_105 = arith.constant 0 : index
      %get3A_106 = tpu.vector_load %arg12[%get3A_105] {strides = array<i32>} : memref<64xi32, #tpu.memory_space<vmem>>, vector<16xi32>,
      tpu.vector_store_idx %arg10[%add3A_104], %get3A_106 : memref<1024xi32, #tpu.memory_space<vmem>>[vector<16xi32>], vector<16xi32>,
      %add3A_107 = arith.constant 16 : i32
      %add3A_108 = vector.broadcast %add3A_107 : i32 to vector<16xi32>
      %add3A_109 = arith.addi %add3A_104, %add3A_108 : vector<16xi32>
      %get3A_110 = arith.constant 16 : index
      %get3A_111 = tpu.vector_load %arg12[%get3A_110] {strides = array<i32>} : memref<64xi32, #tpu.memory_space<vmem>>, vector<16xi32>,
      tpu.vector_store_idx %arg10[%add3A_109], %get3A_111 : memref<1024xi32, #tpu.memory_space<vmem>>[vector<16xi32>], vector<16xi32>,
      %add3A_112 = arith.constant 32 : i32
      %add3A_113 = vector.broadcast %add3A_112 : i32 to vector<16xi32>
      %add3A_114 = arith.addi %add3A_104, %add3A_113 : vector<16xi32>
      tpu.vector_store_idx %arg10[%add3A_114], %broadcast_in_dim3A_5 : memref<1024xi32, #tpu.memory_space<vmem>>[vector<16xi32>], vector<16xi32>,
      %add3A_115 = arith.constant 48 : i32
      %add3A_116 = vector.broadcast %add3A_115 : i32 to vector<16xi32>
      %add3A_117 = arith.addi %add3A_104, %add3A_116 : vector<16xi32>
      tpu.vector_store_idx %arg10[%add3A_117], %broadcast_in_dim3A_5 : memref<1024xi32, #tpu.memory_space<vmem>>[vector<16xi32>], vector<16xi32>,
      "tpu.region"() ({
        %run_scoped3A = tpu.sem_alloc : memref<!tpu.dma_semaphore, #tpu.memory_space<semaphore_mem>>
        tpu.enqueue_dma source(%arg11 : memref<1024xi32, #tpu.memory_space<vmem>>) target(%arg6 : memref<1024xi32, #tpu.memory_space<hbm>>) target_semaphore(%run_scoped3A : memref<!tpu.dma_semaphore, #tpu.memory_space<semaphore_mem>>)
        tpu.wait_dma2 semaphore(%run_scoped3A : memref<!tpu.dma_semaphore, #tpu.memory_space<semaphore_mem>>) src(%arg11 : memref<1024xi32, #tpu.memory_space<vmem>>) dst(%arg6 : memref<1024xi32, #tpu.memory_space<hbm>>)
        tpu.yield
      }) : () -> ()
      "tpu.region"() ({
        %run_scoped3A = tpu.sem_alloc : memref<!tpu.dma_semaphore, #tpu.memory_space<semaphore_mem>>
        tpu.enqueue_dma source(%arg10 : memref<1024xi32, #tpu.memory_space<vmem>>) target(%arg7 : memref<1024xi32, #tpu.memory_space<hbm>>) target_semaphore(%run_scoped3A : memref<!tpu.dma_semaphore, #tpu.memory_space<semaphore_mem>>)
        tpu.wait_dma2 semaphore(%run_scoped3A : memref<!tpu.dma_semaphore, #tpu.memory_space<semaphore_mem>>) src(%arg10 : memref<1024xi32, #tpu.memory_space<vmem>>) dst(%arg7 : memref<1024xi32, #tpu.memory_space<hbm>>)
        tpu.yield
      }) : () -> ()
      "tpu.region"() ({
        %run_scoped3A = tpu.sem_alloc : memref<!tpu.dma_semaphore, #tpu.memory_space<semaphore_mem>>
        %dma_start3A = arith.constant 0 : i32
        %dma_start3A_118 = tpu.memref_slice %arg13[%dma_start3A] : memref<96xi32, #tpu.memory_space<vmem>> -> memref<64xi32, #tpu.memory_space<vmem>>
        %dma_start3A_119 = arith.constant 0 : i32
        %dma_start3A_120 = tpu.memref_slice %arg13[%dma_start3A_119] : memref<96xi32, #tpu.memory_space<vmem>> -> memref<64xi32, #tpu.memory_space<vmem>>
        tpu.enqueue_dma source(%dma_start3A_120 : memref<64xi32, #tpu.memory_space<vmem>>) target(%arg8 : memref<64xi32, #tpu.memory_space<hbm>>) target_semaphore(%run_scoped3A : memref<!tpu.dma_semaphore, #tpu.memory_space<semaphore_mem>>)
        %dma_wait3A = arith.constant 0 : i32
        %dma_wait3A_121 = tpu.memref_slice %arg13[%dma_wait3A] : memref<96xi32, #tpu.memory_space<vmem>> -> memref<64xi32, #tpu.memory_space<vmem>>
        %dma_wait3A_122 = arith.constant 0 : i32
        %dma_wait3A_123 = tpu.memref_slice %arg13[%dma_wait3A_122] : memref<96xi32, #tpu.memory_space<vmem>> -> memref<64xi32, #tpu.memory_space<vmem>>
        tpu.wait_dma2 semaphore(%run_scoped3A : memref<!tpu.dma_semaphore, #tpu.memory_space<semaphore_mem>>) src(%dma_wait3A_123 : memref<64xi32, #tpu.memory_space<vmem>>) dst(%arg8 : memref<64xi32, #tpu.memory_space<hbm>>)
        tpu.yield
      }) : () -> ()
    } else {
    }
    return
  }
}

module attributes {stable_mosaic.version = 14 : i64} {
  func.func @_tc_body(%arg0: i32, %arg1: memref<64x1xi32, #tpu.memory_space<vmem>>, %arg2: memref<1024x1024xf32, #tpu.memory_space<vmem>>, %arg3: memref<1024x1024xf32, #tpu.memory_space<vmem>>, %arg4: memref<1024x1024xf32, #tpu.memory_space<vmem>>, %arg5: memref<1024x1024xf32, #tpu.memory_space<vmem>>) attributes {dimension_semantics = [#tpu.dimension_semantics<arbitrary>], iteration_bounds = array<i64: 16>, scalar_prefetch = 0 : i64, scratch_operands = 0 : i64, tpu.core_type = #tpu.core_type<tc>, window_params = [{pipeline_mode = #tpu.pipeline_mode<synchronous>, transform_indices = @transform_0, window_bounds = array<i64: 64, 1>}, {transform_indices = @transform_1, window_bounds = array<i64: 1024, 1024>}, {transform_indices = @transform_2, window_bounds = array<i64: 1024, 1024>}, {transform_indices = @transform_3, window_bounds = array<i64: 1024, 1024>}, {transform_indices = @transform_4, window_bounds = array<i64: 1024, 1024>}]} {
    %iota3A = tpu.iota {dimensions = array<i32: 1>} : vector<64x1024xi32>
    %get3A = arith.constant 0 : index
    %get3A_0 = arith.constant 0 : index
    %get3A_1 = vector.load %arg1[%get3A, %get3A_0] : memref<64x1xi32, #tpu.memory_space<vmem>>, vector<64x1xi32>
    %eq3A = vector.broadcast %get3A_1 : vector<64x1xi32> to vector<64x1024xi32>
    %eq3A_2 = arith.cmpi eq, %iota3A, %eq3A : vector<64x1024xi32>
    %jit3A = arith.constant 1 : i32
    %jit3A_3 = arith.constant 0 : i32
    %broadcast_in_dim3A = vector.broadcast %jit3A : i32 to vector<64x1024xi32>
    %broadcast_in_dim3A_4 = vector.broadcast %jit3A_3 : i32 to vector<64x1024xi32>
    %select_n3A = arith.select %eq3A_2, %broadcast_in_dim3A, %broadcast_in_dim3A_4 : vector<64x1024xi1>, vector<64x1024xi32>
    %reduce_max3A = arith.constant dense<-2147483648> : vector<1024xi32>
    %reduce_max3A_5 = vector.multi_reduction <maxsi>, %select_n3A, %reduce_max3A [0] : vector<64x1024xi32> to vector<1024xi32>
    %broadcast_in_dim3A_6 = vector.shape_cast %reduce_max3A_5 : vector<1024xi32> to vector<1x1024xi32>
    %gt3A = arith.constant 0 : i32
    %gt3A_7 = vector.broadcast %gt3A : i32 to vector<1x1024xi32>
    %gt3A_8 = arith.cmpi sgt, %broadcast_in_dim3A_6, %gt3A_7 : vector<1x1024xi32>
    %get3A_9 = arith.constant 0 : index
    %get3A_10 = arith.constant 0 : index
    %get3A_11 = vector.load %arg2[%get3A_9, %get3A_10] : memref<1024x1024xf32, #tpu.memory_space<vmem>>, vector<1024x1024xf32>
    %jit3A_12 = arith.constant 0.000000e+00 : f32
    %broadcast_in_dim3A_13 = vector.shape_cast %gt3A_8 : vector<1x1024xi1> to vector<1x1024xi1>
    %broadcast_in_dim3A_14 = vector.broadcast %broadcast_in_dim3A_13 : vector<1x1024xi1> to vector<1024x1024xi1>
    %broadcast_in_dim3A_15 = vector.broadcast %jit3A_12 : f32 to vector<1024x1024xf32>
    %select_n3A_16 = arith.select %broadcast_in_dim3A_14, %broadcast_in_dim3A_15, %get3A_11 : vector<1024x1024xi1>, vector<1024x1024xf32>
    %swap3A = arith.constant 0 : index
    %swap3A_17 = arith.constant 0 : index
    %swap3A_18 = vector.load %arg4[%swap3A, %swap3A_17] : memref<1024x1024xf32, #tpu.memory_space<vmem>>, vector<1024x1024xf32>
    tpu.vector_store %arg4[%swap3A, %swap3A_17], %select_n3A_16 {strides = array<i32>} : memref<1024x1024xf32, #tpu.memory_space<vmem>>, vector<1024x1024xf32>,
    %get3A_19 = arith.constant 0 : index
    %get3A_20 = arith.constant 0 : index
    %get3A_21 = vector.load %arg3[%get3A_19, %get3A_20] : memref<1024x1024xf32, #tpu.memory_space<vmem>>, vector<1024x1024xf32>
    %jit3A_22 = arith.constant 0.000000e+00 : f32
    %broadcast_in_dim3A_23 = vector.shape_cast %gt3A_8 : vector<1x1024xi1> to vector<1x1024xi1>
    %broadcast_in_dim3A_24 = vector.broadcast %broadcast_in_dim3A_23 : vector<1x1024xi1> to vector<1024x1024xi1>
    %broadcast_in_dim3A_25 = vector.broadcast %jit3A_22 : f32 to vector<1024x1024xf32>
    %select_n3A_26 = arith.select %broadcast_in_dim3A_24, %broadcast_in_dim3A_25, %get3A_21 : vector<1024x1024xi1>, vector<1024x1024xf32>
    %swap3A_27 = arith.constant 0 : index
    %swap3A_28 = arith.constant 0 : index
    %swap3A_29 = vector.load %arg5[%swap3A_27, %swap3A_28] : memref<1024x1024xf32, #tpu.memory_space<vmem>>, vector<1024x1024xf32>
    tpu.vector_store %arg5[%swap3A_27, %swap3A_28], %select_n3A_26 {strides = array<i32>} : memref<1024x1024xf32, #tpu.memory_space<vmem>>, vector<1024x1024xf32>,
    return
  }
  func.func @transform_0(%arg0: i32) -> (i32, i32) {
    %c0_i32 = arith.constant 0 : i32
    %c0_i32_0 = arith.constant 0 : i32
    %c0_i32_1 = arith.constant 0 : i32
    return %c0_i32, %c0_i32_0 : i32, i32
  }
  func.func @transform_1(%arg0: i32) -> (i32, i32) {
    %c0_i32 = arith.constant 0 : i32
    %c0_i32_0 = arith.constant 0 : i32
    return %arg0, %c0_i32 : i32, i32
  }
  func.func @transform_2(%arg0: i32) -> (i32, i32) {
    %c0_i32 = arith.constant 0 : i32
    %c0_i32_0 = arith.constant 0 : i32
    return %arg0, %c0_i32 : i32, i32
  }
  func.func @transform_3(%arg0: i32) -> (i32, i32) {
    %c0_i32 = arith.constant 0 : i32
    %c0_i32_0 = arith.constant 0 : i32
    return %arg0, %c0_i32 : i32, i32
  }
  func.func @transform_4(%arg0: i32) -> (i32, i32) {
    %c0_i32 = arith.constant 0 : i32
    %c0_i32_0 = arith.constant 0 : i32
    return %arg0, %c0_i32 : i32, i32
  }
}

</mosaic_0001>

<sc_bundles>
// kernel: kernel.4.cloned.1.call-start
scs
__scs_entry_jumppad:
0x0: {  	(pc) =	sbr.rel $0x88, $3  }
0x1: {  	(tag) =	ssettag $0x0;
	lr =	simm.s32 $0x1  }
0x2: {  	[smem:$0x3F97] =	sst lr;
	_ =	strace $0xD0000000  }
0x3: {  	_ = 	snop  }
0x4: {  	_ = 	snop  }
0x5: {  	_ = 	snop  }
0x6: {  	_ = 	snop  }
0x7: {  	_ = 	snop  }
__scs_overlays_trampoline_lowered:
0x8: {  	[smem:$0x3FA6] =	sst s0  }
0x9: {  	[smem:$0x3FA7] =	sst s1  }
0xa: {  	[smem:$0x3FA8] =	sst s2  }
0xb: {  	[smem:$0x3FA9] =	sst s3  }
0xc: {  	[smem:$0x3FAA] =	sst s4  }
0xd: {  	[smem:$0x3FAB] =	sst s5  }
0xe: {  	[smem:$0x3FAC] =	sst s6  }
0xf: {  	[smem:$0x3FAD] =	sst s7  }
0x10: {  	[smem:$0x3FAE] =	sst s8  }
0x11: {  	[smem:$0x3FAF] =	sst s9;
	s0 =	simm.s32 @!p0 $0x0  }
0x12: {  	s1 =	sld [smem:$0x3F95];
	s0 =	simm.s32 @p0 $0x1  }
0x13: {  	[smem:$0x3FB0] =	sst s0;
	s0 =	simm.s32 @!p1 $0x0  }
0x14: {  	s2 =	sld [smem:$0x3F94];
	s0 =	simm.s32 @p1 $0x1  }
0x15: {  	[smem:$0x3FB1] =	sst s0;
	s0 =	simm.s32 @!p2 $0x0  }
0x16: {  	s3 =	sld [smem:$0x3FDB];
	s0 =	simm.s32 @p2 $0x1  }
0x17: {  	s4 =	simm.s32 $0x1BF5;
	[smem:$0x3FB3] =	sst s0  }
0x18: {  	s0 =	sld [smem:$0x3F96];
	_ =	swait.ge [sflag:s4], $0x0  }
0x19: {  	s7 =	sld [smem:$0x3F97]  }
0x1a: {  	s8 =	sadd.s32 $0xFFFFE003, lr  }
0x1b: {  	s9 =	sadd.s32 $0xFFFFFEF7, lr;
	s5 =	simm.s32 $0xFFFFFFFF;
	p2 =	slt.u32 s8, $0xFFFFF086  }
0x1c: {  	p1 =	slt.u32 s9, $0xF7A;
	s5 =	simm.s32 @!p2 $0x0  }
0x1d: {  	s5 =	simm.s32 @p1 $0x1;
	p0 =	seq.s32 s7, s2  }
0x1e: {  	s7 =	smul.u32 @!p0 $0xF7A, s2;
	p2 =	seq.s32 @!p0 s5, $0x0  }
0x1f: {  	s9 =	smul.u32 $0xF7A, s1;
	s8 =	simm.s32 @!p0 $0x1BF5;
	p2 =	por !p2, p0  }
0x20: {  	[sflag:s8] =	ssyncset.s32 @!p0 $0xFFFFF086;
	s6 =	sadd.s32 @!p0 s3, s7;
	s7 =	simm.s32 @!p0 $0x108  }
0x21: {  	s3 =	sadd.s32 s3, s9;
	s6 =	sadd.s32 @!p0 $0x88, s6;
	s7 =	simm.s32 @p2 $0x1082  }
0x22: {  	[simem:s7], [sflag:s8] =	dma.local @!p0 [hbm:s6], $0xF7A  }
0x23: {  	s9 =	sor.u32 $0xD0000000, s2;
	s6 =	simm.s32 $0x108;
	_ =	swait.ge @!p0 [sflag:s8], $0x0  }
0x24: {  	s3 =	sadd.s32 $0x88, s3;
	s6 =	simm.s32 @!p1 $0x1082;
	[sflag:s4] =	ssyncset.s32 $0xFFFFF086  }
0x25: {  	[simem:s6], [sflag:s4] =	dma.local [hbm:s3], $0xF7A  }
0x26: {  	[smem:$0x3F97] =	sst s1;
	(tag) =	ssettag s2;
	_ =	strace s9  }
0x27: {  	s1 =	sld [smem:$0x3FA7]  }
0x28: {  	s2 =	sld [smem:$0x3FA8]  }
0x29: {  	s4 =	sld [smem:$0x3FAA]  }
0x2a: {  	p0 =	seq.s32 s5, $0x0;
	s5 =	sld [smem:$0x3FAB]  }
0x2b: {  	s6 =	sld [smem:$0x3FAC]  }
0x2c: {  	s7 =	sld [smem:$0x3FAD]  }
0x2d: {  	s3 =	simm.s32 $0x108;
	s8 =	sld [smem:$0x3FAE]  }
0x2e: {  	s3 =	simm.s32 @!p0 $0x1082;
	s9 =	sld [smem:$0x3FAF]  }
0x2f: {  	lr =	sadd.s32 s0, s3;
	s0 =	sld [smem:$0x3FA6]  }
0x30: {  	s3 =	sld [smem:$0x3FA9]  }
0x31: {  	[smem:$0x3FB2] =	sst s10  }
0x32: {  	s10 =	sld [smem:$0x3FB0];
	_ =	sdelay $0x3  }
0x33: {  	p0 =	seq.s32 s10, $0x1;
	s10 =	sld [smem:$0x3FB2];
	_ =	sdelay $0x3  }
0x34: {  	[smem:$0x3FB2] =	sst s10  }
0x35: {  	s10 =	sld [smem:$0x3FB1];
	_ =	sdelay $0x3  }
0x36: {  	p1 =	seq.s32 s10, $0x1;
	s10 =	sld [smem:$0x3FB2];
	_ =	sdelay $0x3  }
0x37: {  	[smem:$0x3FB2] =	sst s10  }
0x38: {  	s10 =	sld [smem:$0x3FB3]  }
0x39: {  	_ = 	snop;
	(pc) =	sbr.ind lr, $3  }
0x3a: {  	_ = 	snop  }
0x3b: {  	_ = 	snop  }
0x3c: {  	p2 =	seq.s32 s10, $0x1;
	s10 =	sld [smem:$0x3FB2]  }
0x3d: {  	_ =	shalt  }
0x3e: {  	_ =	shalt  }
0x3f: {  	_ =	shalt  }
0x40: {  	_ =	shalt  }
0x41: {  	_ =	shalt  }
0x42: {  	_ =	shalt  }
0x43: {  	_ =	shalt  }
0x44: {  	_ =	shalt  }
0x45: {  	_ =	shalt  }
0x46: {  	_ =	shalt  }
0x47: {  	_ =	shalt  }
0x48: {  	_ =	shalt  }
0x49: {  	_ =	shalt  }
0x4a: {  	_ =	shalt  }
0x4b: {  	_ =	shalt  }
0x4c: {  	_ =	shalt  }
0x4d: {  	_ =	shalt  }
0x4e: {  	_ =	shalt  }
0x4f: {  	_ =	shalt  }
0x50: {  	_ =	shalt  }
0x51: {  	_ =	shalt  }
0x52: {  	_ =	shalt  }
0x53: {  	_ =	shalt  }
0x54: {  	_ =	shalt  }
0x55: {  	_ =	shalt  }
0x56: {  	_ =	shalt  }
0x57: {  	_ =	shalt  }
0x58: {  	_ =	shalt  }
0x59: {  	_ =	shalt  }
0x5a: {  	_ =	shalt  }
0x5b: {  	_ =	shalt  }
0x5c: {  	_ =	shalt  }
0x5d: {  	_ =	shalt  }
0x5e: {  	_ =	shalt  }
0x5f: {  	_ =	shalt  }
0x60: {  	_ =	shalt  }
0x61: {  	_ =	shalt  }
0x62: {  	_ =	shalt  }
0x63: {  	_ =	shalt  }
0x64: {  	_ =	shalt  }
0x65: {  	_ =	shalt  }
0x66: {  	_ =	shalt  }
0x67: {  	_ =	shalt  }
0x68: {  	_ =	shalt  }
0x69: {  	_ =	shalt  }
0x6a: {  	_ =	shalt  }
0x6b: {  	_ =	shalt  }
0x6c: {  	_ =	shalt  }
0x6d: {  	_ =	shalt  }
0x6e: {  	_ =	shalt  }
0x6f: {  	_ =	shalt  }
0x70: {  	_ =	shalt  }
0x71: {  	_ =	shalt  }
0x72: {  	_ =	shalt  }
0x73: {  	_ =	shalt  }
0x74: {  	_ =	shalt  }
0x75: {  	_ =	shalt  }
0x76: {  	_ =	shalt  }
0x77: {  	_ =	shalt  }
0x78: {  	_ =	shalt  }
0x79: {  	_ =	shalt  }
0x7a: {  	_ =	shalt  }
0x7b: {  	_ =	shalt  }
0x7c: {  	_ =	shalt  }
0x7d: {  	_ =	shalt  }
0x7e: {  	_ =	shalt  }
0x7f: {  	_ =	shalt  }
0x80: {  	_ =	shalt  }
0x81: {  	_ =	shalt  }
0x82: {  	_ =	shalt  }
0x83: {  	_ =	shalt  }
0x84: {  	_ =	shalt  }
0x85: {  	_ =	shalt  }
0x86: {  	_ =	shalt  }
0x87: {  	_ =	shalt  }
.Lfunc_end0:
.L_simem_size_0:
called_computation_lowered:
.L_overlay_start_0:
0x88: {  	s2 =	sld [smem:$0x3FD9]  }
0x89: {  	s3 =	sld [smem:$0x3FFE];
	_ =	sdelay $0x1  }
0x8a: {  	s1 =	srdreg.scid  }
0x8b: {  	s0 =	sand.u32 $0x1, s1  }
0x8c: {  	s14 =	sshll.u32 s0, $0xA;
	s2 =	sadd.s32 s3, s2  }
0x8d: {  	s2 =	sadd.s32 s2, s14  }
0x8e: {  	[smem:$0x3FBE] =	sst s2  }
0x8f: {  	_ = 	snop  }
0x90: {  	s2 =	sld [smem:$0x3FD0];
	_ =	sdelay $0x2  }
0x91: {  	s4 =	simm.s32 $0xA;
	s5 =	simm.s32 $0x10;
	s15 =	sld [smem:$0x3FC7]  }
0x92: {  	[smem:s5], [sflag:s4] =	dma.local [hbm:s2], $0x1  }
0x93: {  	_ =	swait.eq [sflag:s4], $0x1  }
0x94: {  	s16 =	sld [smem:$0x12]  }
0x95: {  	s17 =	sld [smem:$0x13];
	[sflag:s4] =	ssyncset.done $0x0  }
0x96: {  	s6 =	sld [smem:$0x14];
	[sflag:s4] =	ssyncadd.s32 $0xFFFFFFFF  }
0x97: {  	s18 =	sld [smem:$0x15];
	(tm) =	ssettm $0x1  }
0x98: {  	s7 =	sld [smem:$0x3FFB];
	_ =	sdelay $0x3  }
0x99: {  	_ =	strace s7  }
0x9a: {  	s7 =	sld [smem:$0x3FFC];
	_ =	sdelay $0x3  }
0x9b: {  	_ =	strace s7  }
0x9c: {  	s7 =	sld [smem:$0x3FFD];
	_ =	sdelay $0x3  }
0x9d: {  	_ =	strace s7  }
0x9e: {  	_ =	strace $0x8FFFFFFF  }
0x9f: {  	s19 =	sld [smem:$0x3FDB];
	_ =	sdelay $0x1  }
0xa0: {  	s8 =	simm.s32 $_scs_section_size  }
0xa1: {  	s9 =	simm.s32 $_size__tile_overlayer_lowered;
	s10 =	simm.s32 $_tile_overlayer_lowered  }
0xa2: {  	s22 =	simm.s32 $0x1BFF;
	s21 =	sshll.u32 s10, $0x1;
	s7 =	sadd.s32 s8, s19  }
0xa3: {  	s11 =	simm.s32 $0x0;
	s20 =	sshll.u32 s9, $0x1;
	s9 =	sadd.s32 s21, s7  }
0xa4: {  	[timem:s11], [sflag:s22] =	dma.local [hbm:s9], s20  }
0xa5: {  	_ =	swait.ge [sflag:s22], s20  }
0xa6: {  	s8 =	ssub.s32 $0x0, s20;
	[sflag:s22] =	ssyncset.done $0x0  }
0xa7: {  	[sflag:s22] =	ssyncadd.s32 s8;
	_ =	sdelay $0x1  }
0xa8: {  	s23 =	simm.s32 $0x1B8B  }
0xa9: {  	_ =	swait.ge [sflag:s23], $0x1  }
0xaa: {  	[sflag:s23] =	ssyncset.done $0x0  }
0xab: {  	s25 =	simm.s32 $0x1B8E;
	s24 =	sld [smem:$0x3FFE];
	[sflag:s23] =	ssyncadd.s32 $0xFFFFFFFF  }
0xac: {  	s26 =	simm.s32 $execute0_lowered;
	[smem:$0x3FD2] =	sst s25  }
0xad: {  	s9 =	sshll.u32 s26, $0x1;
	_ =	strace $0x80000046;
	[dreg:$0x1] =	wrdreg $0xFFFFFFFF  }
0xae: {  	s28 =	simm.s32 $_size_execute0_lowered;
	s7 =	sadd.s32 s7, s9;
	[dreg:$0x0] =	wrdreg $0x0  }
0xaf: {  	s9 =	sshll.u32 s28, $0x1;
	[dreg:$0x2] =	wrdreg s7  }
0xb0: {  	[dreg:$0x3] =	wrdreg s9  }
0xb1: {  	[dreg:$0x4] =	wrdreg $0xC0  }
0xb2: {  	_ =	task [dreg:s11], $0x5FFFF  }
0xb3: {  	[dreg:$0x1] =	wrdreg $0xFFFFFFFF  }
0xb4: {  	[dreg:$0x0] =	wrdreg $0x60  }
0xb5: {  	[dreg:$0x2] =	wrdreg s15  }
0xb6: {  	[dreg:$0x3] =	wrdreg s6  }
0xb7: {  	[dreg:$0x4] =	wrdreg s17  }
0xb8: {  	[dreg:$0x5] =	wrdreg s18  }
0xb9: {  	[dreg:$0x6] =	wrdreg s16  }
0xba: {  	[dreg:$0x7] =	wrdreg s24  }
0xbb: {  	[dreg:$0x8] =	wrdreg $0x9  }
0xbc: {  	_ =	task.clear_ibuf [dreg:s11], $0x9FFFF;
	_ =	strace $0x90000046  }
0xbd: {  	s29 =	simm.s32 $0x9;
	_ =	strace $0x80000048  }
0xbe: {  	_ =	swait.ge [sflag:s29], $0x1  }
0xbf: {  	[sflag:s29] =	ssyncadd.s32 $0xFFFFFFFF  }
0xc0: {  	_ =	strace $0x90000048  }
0xc1: {  	_ =	sfence  }
0xc2: {  	s30 =	sld [smem:$0x0];
	_ =	sdelay $0x2  }
0xc3: {  	s31 =	sshll.u32 s1, $0xD;
	s1 =	sshrl.u32 s1, $0x2  }
0xc4: {  	s3 =	sand.u32 $0x4000, s31;
	s1 =	sadd.s32 s1, s30  }
0xc5: {  	s0 =	sor.u32 s3, s0;
	s1 =	sshll.u32 s1, $0x11  }
0xc6: {  	s0 =	sor.u32 s1, s0  }
0xc7: {  	s0 =	sadd.s32 $0x8F2B, s0  }
0xc8: {  	[sflag:s0] =	ssyncadd.remote.s32 $0x1  }
0xc9: {  	_ =	sfence.sel $0xFFFF  }
0xca: {  	[dreg:$0x0] =	wrdreg $0xFFFFFFFF;
	(pc) =	sbr.abs _section_cstart, $3  }
0xcb: {  	[dreg:$0x1] =	wrdreg $0xFFFFFFFF  }
0xcc: {  	_ =	task.clear_ibuf [dreg:s11], $0x2FFFF;
	_ =	strace $0x9FFFFFFF  }
0xcd: {  	(tm) =	ssettm $0x7FFFFFFF  }
tec
execute0_lowered:
.L_overlay_start_1:
0x0: {  	(tag) =	ssettag $0x1  }
0x1: {  	s3 =	srdreg.scid  }
0x2: {  	s7 =	sand.u32 $0x1, s3;
	s3 =	stileid.u32  }
0x3: {  	s0 =	rddreg [dreg:$0x0];
	s9 =	sshll.u32 s3, $0x1;
	s10 =	ssub.s32 $0x0, s7  }
0x4: {  	s1 =	rddreg [dreg:$0x1];
	p0 =	sne.s32 s9, s10  }
.Ltmp0:
0x5: {  	s2 =	rddreg [dreg:$0x2];
	(pc) =	sbr.rel @p0 .LBB2_5-.Ltmp0, $4  }
0x6: {  	s4 =	rddreg [dreg:$0x3]  }
0x7: {  	s6 =	rddreg [dreg:$0x4]  }
0x8: {  	s8 =	rddreg [dreg:$0x5]  }
0x9: {  	s5 =	rddreg [dreg:$0x6];
	_ =	strace $0x80000047  }
0xa: {  	v0 =	vlaneseq.u32  }
0xb: {  	v1 =	vimm.s32 $0x0;
	v2 =	vimm.s32 $0x65432100;
	v3 =	vimm.s32 $0xEDCBA987  }
0xc: {  	v5 =	vimm.s32 $0xDCBA9876;
	v6 =	vimm.s32 $0x54321000;
	v7 =	vimm.s32 $0xBA987654  }
0xd: {  	v8 =	vimm.s32 $0xE40000;
	v9 =	vimm.s32 $0x32100000;
	vm0 =	vmmov $0x3  }
0xe: {  	vm1 =	vmmov $0xf;
	vm2 =	vcmask $0x3F30;
	v4 =	vunpack.c.l.s4.s8 v2  }
0xf: {  	v3 =	vunpack.c.l.s4.s8 v3;
	v2 =	vimm.s32 $0xFFFFFFFF;
	v5 =	vunpack.c.l.s4.s8 v5  }
0x10: {  	v6 =	vunpack.c.l.s4.s8 v6;
	v7 =	vunpack.c.l.s4.s8 v7;
	v8 =	vunpack.c.l.s2.s4 v8  }
0x11: {  	v9 =	vunpack.c.l.s4.s8 v9;
	v3 =	vunpack.c.0.s8.s32 v3;
	v5 =	vunpack.c.0.s8.s32 v5  }
0x12: {  	v4 =	vunpack.c.0.s8.s32 v4;
	v6 =	vunpack.c.0.s8.s32 v6;
	v7 =	vunpack.c.0.s8.s32 v7  }
0x13: {  	v8 =	vunpack.c.l.s4.s8 v8;
	v3 =	vand.u32 $0xF, v3;
	v5 =	vand.u32 $0xF, v5  }
0x14: {  	s9 =	ssub.s32 $0x2, s7;
	v3 =	vcombine.low v4, v3;
	v4 =	vcombine.low v6, v5;
	v5 =	vunpack.c.0.s8.s32 v9  }
0x15: {  	s7 =	sadd.s32 $0xE00, s8;
	s8 =	sadd.s32 $0x1000, s8;
	s11 =	simm.s32 $0x1;
	v8 =	vunpack.c.0.s8.s32 v8;
	v6 =	vand.u32 $0xF, v7;
	v7 =	vimm.s32 $0x7060504  }
0x16: {  	s12 =	simm.s32 $0x80;
	s13 =	simm.s32 $0x900;
	s10 =	sshrl.u32 s9, $0x1;
	v10 =	vor.u32 $0x30, v0;
	v5 =	vcombine.low v5, v6;
	v6 =	vunpack.c.0.s8.s32 v7  }
0x17: {  	s14 =	simm.s32 $0x880;
	s15 =	simm.s32 $0x480;
	s9 =	ssub.s32 s9, s10;
	v9 =	vor.u32 $0x20, v0;
	v7 =	vand.u32 $0x3, v8;
	v8 =	vor.u32 $0x10, v0  }
0x18: {  	s16 =	simm.s32 $0x0;
	s10 =	simm.s32 $0x0;
	s9 =	smax.u32 s9, $0x1;
	v6 =	vsel vm2, v6, v7;
	vm2 =	vmmov $0xff;
	v7 =	vimm.s32 $0xF  }
.LBB2_2:
0x19: {  	[tilespmem:s10], [sflag:$0x1] =	stream.linear.gather [hbm4b:s1+s10], $0x80, $0x38;
	[tilespmem:$0x980] =	vst v63  }
0x1a: {  	_ =	swait.ge [sflag:s11], $0x80  }
0x1b: {  	[sflag:s11] =	ssyncset.done $0x0  }
0x1c: {  	[sflag:s11] =	ssyncadd.s32 $0xFFFFFF80  }
0x1d: {  	[tilespmem:s15], [sflag:$0x1] =	stream.linear.gather [hbm4b:s0+s10], $0x400, $0x38;
	[tilespmem:$0x980] =	vst v63  }
0x1e: {  	_ =	swait.ge [sflag:s11], $0x400  }
0x1f: {  	[sflag:s11] =	ssyncset.done $0x0  }
0x20: {  	[sflag:s11] =	ssyncadd.s32 $0xFFFFFC00  }
0x21: {  	[tilespmem:s12], [sflag:$0x1] =	stream.linear.gather [hbm4b:s2+s10], $0x400, $0x38;
	[tilespmem:$0x980] =	vst v63  }
0x22: {  	_ =	swait.ge [sflag:s11], $0x400  }
0x23: {  	[sflag:s11] =	ssyncset.done $0x0  }
0x24: {  	[sflag:s11] =	ssyncadd.s32 $0xFFFFFC00  }
0x25: {  	[tilespmem:s13], [sflag:$0x1] =	stream.linear.gather [hbm4b:s4+s10], $0x80, $0x38;
	[tilespmem:$0x980] =	vst v63  }
0x26: {  	_ =	swait.ge [sflag:s11], $0x80  }
0x27: {  	[sflag:s11] =	ssyncset.done $0x0  }
0x28: {  	[sflag:s11] =	ssyncadd.s32 $0xFFFFFF80  }
0x29: {  	v12 =	vld [tilespmem:$0x0];
	_ =	sdelay $0x7  }
0x2a: {  	v11 =	vld [tilespmem:$0x940];
	[tilespmem:v12+s15+$0x0] =	vst.idx.msk $0xffff, v1  }
0x2b: {  	v12 =	vld [tilespmem:$0x10];
	_ =	sdelay $0x7  }
0x2c: {  	[tilespmem:v12+s15+$0x0] =	vst.idx.msk $0xffff, v1  }
0x2d: {  	v12 =	vld [tilespmem:$0x20];
	_ =	sdelay $0x7  }
0x2e: {  	[tilespmem:v12+s15+$0x0] =	vst.idx.msk $0xffff, v1  }
0x2f: {  	v12 =	vld [tilespmem:$0x30];
	_ =	sdelay $0x7  }
0x30: {  	[tilespmem:v12+s15+$0x0] =	vst.idx.msk $0xffff, v1  }
0x31: {  	v12 =	vld [tilespmem:$0x950];
	_ =	sdelay $0x4  }
0x32: {  	v13 =	vld [tilespmem:$0x900];
	v14 =	vadd.s32 $0x1F, v12  }
0x33: {  	v15 =	vld [tilespmem:$0x910];
	v16 =	vshra.s32 v14, $0x1F;
	v17 =	vand.u32 $0x1F, v14  }
0x34: {  	v18 =	vld [tilespmem:$0x920];
	vm3 =	vlt.s32 v14, $0x1;
	v16 =	vshrl.u32 v16, $0x1B;
	vm4 =	vne.s32 v17, $0x0  }
0x35: {  	v19 =	vld [tilespmem:$0x930];
	v14 =	vadd.s32 v16, v14;
	vm3 =	vmand vm3, vm4  }
0x36: {  	vm15 =	veq.s32 v11, v0;
	[tilespmem:$0x880] =	vst v2;
	v14 =	vshra.s32 v14, $0x5;
	v63 =	vsel vm3, $0xFFFFFFFF, v1  }
0x37: {  	[tilespmem:$0x890] =	vst v2;
	v13 =	vsel vm15, v12, v13;
	v14 =	vadd.s32 v63, v14  }
0x38: {  	[tilespmem:$0x900] =	vst v13;
	vm3 =	vgt.s32 v12, $0x0;
	v12 =	vsel vm15, v14, v15  }
0x39: {  	v13 =	vnsel vm3, $0x0, v17;
	[tilespmem:$0x910] =	vst v12;
	v12 =	vsel vm15, $0xFFFFFFFF, v18  }
0x3a: {  	[tilespmem:$0x920] =	vst v12;
	v12 =	vsel vm15, v13, v19  }
0x3b: {  	[tilespmem:$0x930] =	vst v12  }
0x3c: {  	v13 =	vld [tilespmem:s15+$0x0];
	_ =	sdelay $0x1  }
0x3d: {  	s19 =	simm.s32 $0x10;
	s18 =	simm.s32 $0x0;
	s17 =	simm.s32 $0x480;
	v14 =	vimm.s32 $0x0;
	v12 =	vadd.s32 $0x20, v11  }
.LBB2_3:
0x3e: {  	p0 =	sne.s32 s19, $0x3F0;
	_ =	sdelay $0x1  }
0x3f: {  	vm4 =	veq.s32 v13, $0x0  }
0x40: {  	v15 =	vsel vm4, $0x1, v1  }
0x41: {  	v16 =	vperm.xlane v15, v3  }
0x42: {  	vm3 =	veq.s32 v0, $0x0  }
0x43: {  	v16 =	vsel vm3, $0x0, v16  }
0x44: {  	v15 =	vadd.s32 v15, v16  }
0x45: {  	v16 =	vperm.xlane v15, v4;
	_ =	sdelay $0x1  }
0x46: {  	v16 =	vsel vm0, $0x0, v16  }
0x47: {  	v15 =	vadd.s32 v16, v15  }
0x48: {  	v16 =	vperm.xlane v15, v5;
	_ =	sdelay $0x1  }
0x49: {  	v16 =	vsel vm1, $0x0, v16  }
0x4a: {  	v15 =	vadd.s32 v16, v15  }
0x4b: {  	v16 =	vperm.xlane v15, v6;
	_ =	sdelay $0x1  }
0x4c: {  	v16 =	vsel vm2, $0x0, v16  }
0x4d: {  	v15 =	vadd.s32 v16, v15  }
0x4e: {  	v16 =	vadd.s32 v15, v14;
	v15 =	vperm.xlane v15, v7  }
0x4f: {  	v16 =	vadd.s32 $0xFFFFFFFF, v16  }
0x50: {  	vm5 =	vlt.s32 v16, $0x20;
	v14 =	vadd.s32 v14, v15  }
0x51: {  	vm5 =	vmand vm4, vm5  }
0x52: {  	vm6 =	veq.s32 v16, $0x1F  }
0x53: {  	vm4 =	vmand vm4, vm6;
	_ =	sdelay $0x2  }
0x54: {  	v15 =	vor.u32 s18, v0;
	s18 =	smov.u32 s19  }
0x55: {  	v13 =	vsel vm5, $0x1, v13;
	[tilespmem:v16+s14+$0x0] =	vst.idx.msk vm5, v15  }
.Ltmp1:
0x56: {  	[tilespmem:s17+$0x0] =	vst v13;
	(pc) =	sbr.rel @p0 .LBB2_3-.Ltmp1, $3  }
0x57: {  	s17 =	sadd.s32 $0x10, s17;
	[tilespmem:v12+s13+$0x0] =	vst.idx.msk vm4, v15  }
0x58: {  	v13 =	vld [tilespmem:s17+$0x0];
	_ =	sdelay $0x1  }
0x59: {  	s19 =	sadd.s32 $0x10, s19  }
0x5a: {  	_ =	sdelay $0x1  }
0x5b: {  	vm4 =	veq.s32 v13, $0x0  }
0x5c: {  	v15 =	vsel vm4, $0x1, v1  }
0x5d: {  	v16 =	vperm.xlane v15, v3;
	_ =	sdelay $0x1  }
0x5e: {  	v16 =	vsel vm3, $0x0, v16  }
0x5f: {  	v15 =	vadd.s32 v15, v16  }
0x60: {  	v16 =	vperm.xlane v15, v4;
	_ =	sdelay $0x1  }
0x61: {  	v16 =	vsel vm0, $0x0, v16  }
0x62: {  	v15 =	vadd.s32 v16, v15  }
0x63: {  	v16 =	vperm.xlane v15, v5;
	_ =	sdelay $0x1  }
0x64: {  	v16 =	vsel vm1, $0x0, v16  }
0x65: {  	v15 =	vadd.s32 v16, v15  }
0x66: {  	v16 =	vperm.xlane v15, v6;
	_ =	sdelay $0x1  }
0x67: {  	v16 =	vsel vm2, $0x0, v16  }
0x68: {  	v15 =	vadd.s32 v16, v15  }
0x69: {  	v14 =	vadd.s32 v15, v14  }
0x6a: {  	v14 =	vadd.s32 $0xFFFFFFFF, v14  }
0x6b: {  	vm3 =	vlt.s32 v14, $0x20  }
0x6c: {  	vm3 =	vmand vm4, vm3  }
0x6d: {  	vm5 =	veq.s32 v14, $0x1F  }
0x6e: {  	vm4 =	vmand vm4, vm5;
	_ =	sdelay $0x2  }
0x6f: {  	v59 =	vor.u32 s18, v0  }
0x70: {  	v60 =	vsel vm3, $0x1, v13;
	[tilespmem:v14+s14+$0x0] =	vst.idx.msk vm3, v59  }
0x71: {  	[tilespmem:s17+$0x0] =	vst v60  }
0x72: {  	v11 =	vshll.u32 v11, $0x6;
	[tilespmem:v12+s13+$0x0] =	vst.idx.msk vm4, v59  }
0x73: {  	v61 =	vor.u32 v0, v11;
	v13 =	vld [tilespmem:$0x880];
	_ =	sdelay $0x4  }
0x74: {  	[tilespmem:v61+s12+$0x0] =	vst.idx.msk $0xffff, v13  }
0x75: {  	v62 =	vor.u32 v8, v11;
	v13 =	vld [tilespmem:$0x890]  }
0x76: {  	v63 =	vor.u32 v9, v11  }
0x77: {  	v11 =	vor.u32 v10, v11;
	_ =	sdelay $0x2  }
0x78: {  	[tilespmem:v62+s12+$0x0] =	vst.idx.msk $0xffff, v13  }
0x79: {  	[tilespmem:v63+s12+$0x0] =	vst.idx.msk $0xffff, v2  }
0x7a: {  	[tilespmem:v11+s12+$0x0] =	vst.idx.msk $0xffff, v2  }
0x7b: {  	[hbm4b:s6+s10] =	stream.linear.scatter [tilespmem:s15], [sflag:$0x1], $0x400, $0x38;
	[tilespmem:$0x980] =	vst v63  }
0x7c: {  	_ =	swait.ge [sflag:s11], $0x400  }
0x7d: {  	[sflag:s11] =	ssyncset.done $0x0  }
0x7e: {  	[sflag:s11] =	ssyncadd.s32 $0xFFFFFC00  }
0x7f: {  	[hbm4b:s7+s10] =	stream.linear.scatter [tilespmem:s12], [sflag:$0x1], $0x400, $0x38;
	[tilespmem:$0x980] =	vst v63  }
0x80: {  	s16 =	sadd.s32 $0x1, s16;
	_ =	swait.ge [sflag:s11], $0x400  }
0x81: {  	p0 =	sne.s32 s16, s9;
	[sflag:s11] =	ssyncset.done $0x0  }
.Ltmp2:
0x82: {  	[sflag:s11] =	ssyncadd.s32 $0xFFFFFC00;
	(pc) =	sbr.rel @p0 .LBB2_2-.Ltmp2, $4  }
0x83: {  	[hbm4b:s8+s10] =	stream.linear.scatter [tilespmem:s13], [sflag:$0x1], $0x40, $0x38;
	[tilespmem:$0x980] =	vst v63  }
0x84: {  	_ =	swait.ge [sflag:s11], $0x40  }
0x85: {  	[sflag:s11] =	ssyncset.done $0x0  }
0x86: {  	[sflag:s11] =	ssyncadd.s32 $0xFFFFFFC0  }
.LBB2_5:
0x87: {  	_ =	sfence.sel $0x180000  }
0x88: {  	[bflag:$0x0] =	sbarrier.arrive $0xFFFF  }
0x89: {  	p0 =	sne.s32 s3, $0x0;
	_ =	strace $0x90000047  }
0x8a: {  	s0 =	sadd.s32 @!p0 $0x100000, s5;
	[bflag:$0x2] =	sbarrier.arrive $0xFFFF  }
0x8b: {  	[sflag:s0] =	ssyncadd.tile.s32 @!p0 $0x1;
	_ =	shalt  }
.Lfunc_end2:
_tile_overlayer_lowered:
.L_overlay_start_2:
0x8c: {  	(tag) =	ssettag $0x2  }
0x8d: {  	s0 =	rddreg [dreg:$0x0];
	s2 =	stileid.u32  }
0x8e: {  	s1 =	rddreg [dreg:$0x1];
	p0 =	sne.s32 s2, $0x0  }
0x8f: {  	s3 =	rddreg [dreg:$0x2];
	[bflag:$0x3] =	sbarrier.arrive $0xFFFF;
	s2 =	simm.s32 @!p0 $0x1C01  }
0x90: {  	[timem:s3], [sflag:s2] =	dma.local @!p0 [hbm:s0], s1  }
0x91: {  	s0 =	simm.s32 @!p0 $0x1  }
0x92: {  	_ =	swait.ge @!p0 [sflag:s0], s1  }
0x93: {  	s1 =	ssub.s32 @!p0 $0x0, s1;
	[sflag:s0] =	ssyncset.done @!p0 $0x0  }
0x94: {  	[sflag:s0] =	ssyncadd.s32 @!p0 s1  }
0x95: {  	[bflag:$0x3] =	sbarrier.arrive $0xFFFF  }
0x96: {  	_ =	shalt  }

</sc_bundles>
